<compile_context>
chip_gen: v7x
topology: tpu7x:2x2x1
jax: 0.10.2.dev20260603
libtpu: 0.0.44.dev20260713+nightly
codegen_flags: <defaults>
</compile_context>

<pallas_src>
import functools

import jax
import jax.numpy as jnp
from jax import lax
from jax.experimental import pallas as pl
from jax.experimental.pallas import tpu as pltpu
from jax.experimental.pallas import tpu_sc as plsc

N_SRC = 16384
N_QRY = 4096
C_FEAT = 128
K = 3

QB = 128

NC, NS = 2, 16
NW = NC * NS
BPW = N_QRY // NW


CH = 128


def _nn3_body(q_ref, xt_ref, idx_ref, w_ref, d2_ref):
    q = q_ref[...]
    qx, qy, qz = q[:, 0:1], q[:, 1:2], q[:, 2:3]
    inf = jnp.float32(jnp.inf)
    big_f = jnp.float32(N_SRC)

    init = jnp.full((QB, CH), inf, jnp.float32)

    def body(j, carry):
        b1, b2, b3 = carry
        off = j * CH
        xx = xt_ref[0:1, pl.ds(off, CH)]
        yy = xt_ref[1:2, pl.ds(off, CH)]
        zz = xt_ref[2:3, pl.ds(off, CH)]
        dx = qx - xx
        dy = qy - yy
        dz = qz - zz
        v = dx * dx + dy * dy + dz * dz
        d2_ref[:, pl.ds(off, CH)] = v
        t = jnp.maximum(b1, v)
        b1 = jnp.minimum(b1, v)
        u = jnp.maximum(b2, t)
        b2 = jnp.minimum(b2, t)
        b3 = jnp.minimum(b3, u)
        return b1, b2, b3

    b1, b2, b3 = lax.fori_loop(0, N_SRC // CH, body, (init, init, init))

    m1 = jnp.min(b1, axis=1, keepdims=True)
    e1 = b1 == m1
    b1a = jnp.where(e1, b2, b1)
    b2a = jnp.where(e1, b3, b2)
    m2 = jnp.min(b1a, axis=1, keepdims=True)
    e2 = b1a == m2
    b1b = jnp.where(e2, b2a, b1a)
    m3 = jnp.min(b1b, axis=1, keepdims=True)

    iota = lax.broadcasted_iota(jnp.int32, (1, N_SRC), 1).astype(jnp.float32)
    d2 = d2_ref[...]
    i1 = jnp.min(jnp.where(d2 == m1, iota, big_f), axis=1, keepdims=True)
    i2 = jnp.min(jnp.where(d2 == m2, iota, big_f), axis=1, keepdims=True)
    i3 = jnp.min(jnp.where(d2 == m3, iota, big_f), axis=1, keepdims=True)

    d1 = jnp.sqrt(jnp.maximum(m1, 1e-12))
    dd2 = jnp.sqrt(jnp.maximum(m2, 1e-12))
    dd3 = jnp.sqrt(jnp.maximum(m3, 1e-12))
    r1 = 1.0 / (d1 + 1e-8)
    r2 = 1.0 / (dd2 + 1e-8)
    r3 = 1.0 / (dd3 + 1e-8)
    norm = r1 + r2 + r3

    idx_ref[...] = jnp.concatenate([i1, i2, i3], axis=1).astype(jnp.int32).T
    w_ref[...] = jnp.concatenate([r1 / norm, r2 / norm, r3 / norm], axis=1)


def _nn3(new_xyz, xt):
    return pl.pallas_call(
        _nn3_body,
        grid=(N_QRY // QB,),
        in_specs=[
            pl.BlockSpec((QB, 3), lambda i: (i, 0)),
            pl.BlockSpec((3, N_SRC), lambda i: (0, 0)),
        ],
        out_specs=[
            pl.BlockSpec((3, QB), lambda i: (0, i)),
            pl.BlockSpec((QB, 3), lambda i: (i, 0)),
        ],
        out_shape=[
            jax.ShapeDtypeStruct((3, N_QRY), jnp.int32),
            jax.ShapeDtypeStruct((N_QRY, 3), jnp.float32),
        ],
        scratch_shapes=[pltpu.VMEM((QB, N_SRC), jnp.float32)],
    )(new_xyz, xt)


@functools.cache
def _sc_gather_fn():
    mesh = plsc.VectorSubcoreMesh(core_axis_name="c", subcore_axis_name="s")

    @functools.partial(
        pl.kernel,
        mesh=mesh,
        out_type=jax.ShapeDtypeStruct((K, N_QRY, C_FEAT), jnp.float32),
        scratch_types=[
            pltpu.VMEM((K, BPW), jnp.int32),
            pltpu.VMEM((K, BPW, C_FEAT), jnp.float32),
            pltpu.SemaphoreType.DMA,
        ],
    )
    def _sc_gather(idx_hbm, feat_hbm, out_hbm, idx_v, rows_v, sem):
        wid = lax.axis_index("s") * NC + lax.axis_index("c")
        base = wid * BPW
        pltpu.sync_copy(idx_hbm.at[:, pl.ds(base, BPW)], idx_v)
        for k in range(K):
            pltpu.async_copy(feat_hbm.at[idx_v.at[k]], rows_v.at[k], sem)
        for k in range(K):
            pltpu.make_async_copy(feat_hbm.at[idx_v.at[k]], rows_v.at[k],
                                  sem).wait()
        pltpu.sync_copy(rows_v, out_hbm.at[:, pl.ds(base, BPW), :])

    return _sc_gather


def _combine_body(g_ref, w_ref, o_ref):
    w = w_ref[...]
    o_ref[...] = (g_ref[0] * w[:, 0:1]
                  + g_ref[1] * w[:, 1:2]
                  + g_ref[2] * w[:, 2:3])


def _combine(g, w):
    return pl.pallas_call(
        _combine_body,
        grid=(N_QRY // QB,),
        in_specs=[
            pl.BlockSpec((K, QB, C_FEAT), lambda i: (0, i, 0)),
            pl.BlockSpec((QB, 3), lambda i: (i, 0)),
        ],
        out_specs=pl.BlockSpec((QB, C_FEAT), lambda i: (i, 0)),
        out_shape=jax.ShapeDtypeStruct((N_QRY, C_FEAT), jnp.float32),
    )(g, w)


def kernel(xyz, new_xyz, features):
    idx_t, w = _nn3(new_xyz, xyz.T)
    g = _sc_gather_fn()(idx_t, features)
    return _combine(g, w)

# --- scband reference (transcript-rebuilt; emitter-appended) ---
"""Pipeline reference for scband-point-giraffe-layer-64295660421508 (READ-ONLY COPY).

The authoritative reference and input builder live on the scoring server;
editing this copy changes nothing except your own understanding.
"""

import jax, jax.numpy as jnp
import numpy as np

N_SRC = 16384
N_QRY = 4096
C_FEAT = 128

def setup_inputs(seed: int = 0) -> dict:
    key = jax.random.key(seed)
    k1, k2, k3 = jax.random.split(key, 3)
    xyz = jax.random.normal(k1, (N_SRC, 3), dtype=jnp.float32) * 10.0
    new_xyz = jax.random.normal(k2, (N_QRY, 3), dtype=jnp.float32) * 10.0
    features = jax.random.normal(k3, (N_SRC, C_FEAT), dtype=jnp.float32)
    return {"xyz": xyz, "new_xyz": new_xyz, "features": features}

def reference(xyz, new_xyz, features):
    # Interpolate3NN: pointnet2_utils.three_nn + three_interpolate
    # three_nn: for each query point in new_xyz, find 3 nearest source points in xyz
    diff = new_xyz[:, None, :] - xyz[None, :, :]            # (N_QRY, N_SRC, 3)
    d2 = jnp.sum(diff * diff, axis=-1)                      # (N_QRY, N_SRC)
    dist_all = jnp.sqrt(jnp.maximum(d2, 1e-12))
    neg_vals, idx = jax.lax.top_k(-dist_all, 3)             # 3 smallest distances
    dist = -neg_vals                                        # (N_QRY, 3)
    # inverse-distance weighting (exact math from Interpolate3NN.forward)
    dist_recip = 1.0 / (dist + 1e-08)
    norm = jnp.sum(dist_recip, axis=-1, keepdims=True)
    weight = dist_recip / norm                              # (N_QRY, 3)
    # three_interpolate: weighted gather of source features
    gathered = jnp.take(features, idx, axis=0)              # (N_QRY, 3, C)
    interpolated_feats = jnp.sum(gathered * weight[..., None], axis=1)  # (N_QRY, C)
    return interpolated_feats

if __name__ == "__main__":
    import jax
    _d = setup_inputs()
    print(jax.jit(kernel)(*tuple(_d.values())))

</pallas_src>

<mosaic_0001>
#map = affine_map<(d0, d1) -> (0, 0)>
#map1 = affine_map<(d0, d1) -> (0, 0, 0)>
module attributes {stable_mosaic.version = 14 : i64} {
  func.func @_sc_gather(%arg0: i32, %arg1: i32, %arg2: memref<3x4096xi32, #tpu.memory_space<hbm>>, %arg3: memref<16384x128xf32, #tpu.memory_space<hbm>>, %arg4: memref<3x4096x128xf32, #tpu.memory_space<hbm>>, %arg5: memref<3x128xi32, #tpu.memory_space<vmem>>, %arg6: memref<3x128x128xf32, #tpu.memory_space<vmem>>, %arg7: memref<!tpu.dma_semaphore, #tpu.memory_space<semaphore_mem>>) attributes {dimension_semantics = [#tpu.dimension_semantics<core_parallel>, #tpu.dimension_semantics<subcore_parallel>], iteration_bounds = array<i64: 2, 16>, scalar_prefetch = 0 : i64, scratch_operands = 3 : i64, tpu.core_type = #tpu.core_type<sc_vector_subcore>, window_params = [{transform_indices = #map}, {transform_indices = #map}, {transform_indices = #map1}]} {
    %mul3A = arith.constant 2 : i32
    %mul3A_0 = arith.muli %arg1, %mul3A : i32
    %add3A = arith.addi %mul3A_0, %arg0 : i32
    %mul3A_1 = arith.constant 128 : i32
    %mul3A_2 = arith.muli %add3A, %mul3A_1 : i32
    "tpu.region"() ({
      %run_scoped3A = tpu.sem_alloc : memref<!tpu.dma_semaphore, #tpu.memory_space<semaphore_mem>>
      %dma_start3A_73 = arith.constant 0 : i32
      %dma_start3A_74 = tpu.memref_slice %arg2[%dma_start3A_73, %mul3A_2] : memref<3x4096xi32, #tpu.memory_space<hbm>> -> memref<3x128xi32, #tpu.memory_space<hbm>>
      %dma_start3A_75 = arith.constant 0 : i32
      %dma_start3A_76 = tpu.memref_slice %arg2[%dma_start3A_75, %mul3A_2] : memref<3x4096xi32, #tpu.memory_space<hbm>> -> memref<3x128xi32, #tpu.memory_space<hbm>>
      tpu.enqueue_dma source(%dma_start3A_76 : memref<3x128xi32, #tpu.memory_space<hbm>>) target(%arg5 : memref<3x128xi32, #tpu.memory_space<vmem>>) target_semaphore(%run_scoped3A : memref<!tpu.dma_semaphore, #tpu.memory_space<semaphore_mem>>)
      %dma_wait3A_77 = arith.constant 0 : i32
      %dma_wait3A_78 = tpu.memref_slice %arg2[%dma_wait3A_77, %mul3A_2] : memref<3x4096xi32, #tpu.memory_space<hbm>> -> memref<3x128xi32, #tpu.memory_space<hbm>>
      %dma_wait3A_79 = arith.constant 0 : i32
      %dma_wait3A_80 = tpu.memref_slice %arg2[%dma_wait3A_79, %mul3A_2] : memref<3x4096xi32, #tpu.memory_space<hbm>> -> memref<3x128xi32, #tpu.memory_space<hbm>>
      tpu.wait_dma2 semaphore(%run_scoped3A : memref<!tpu.dma_semaphore, #tpu.memory_space<semaphore_mem>>) src(%dma_wait3A_80 : memref<3x128xi32, #tpu.memory_space<hbm>>) dst(%arg5 : memref<3x128xi32, #tpu.memory_space<vmem>>)
      tpu.yield
    }) : () -> ()
    %dma_start3A = arith.constant 0 : i32
    %dma_start3A_3 = arith.constant 0 : i32
    %dma_start3A_4 = arith.constant 0 : i32
    %dma_start3A_5 = arith.constant 0 : i32
    %dma_start3A_6 = tpu.memref_slice %arg6[%dma_start3A_3, %dma_start3A_4, %dma_start3A_5] : memref<3x128x128xf32, #tpu.memory_space<vmem>> -> memref<1x128x128xf32, #tpu.memory_space<vmem>>
    %dma_start3A_7 = tpu.memref_squeeze %dma_start3A_6 : memref<1x128x128xf32, #tpu.memory_space<vmem>> -> memref<128x128xf32, #tpu.memory_space<vmem>>
    %dma_start3A_8 = arith.constant 0 : i32
    %dma_start3A_9 = tpu.memref_slice %arg5[%dma_start3A, %dma_start3A_8] : memref<3x128xi32, #tpu.memory_space<vmem>> -> memref<1x128xi32, #tpu.memory_space<vmem>>
    %dma_start3A_10 = tpu.memref_squeeze %dma_start3A_9 : memref<1x128xi32, #tpu.memory_space<vmem>> -> memref<128xi32, #tpu.memory_space<vmem>>
    %dma_start3A_11 = arith.constant 0 : i32
    %dma_start3A_12 = arith.constant 0 : i32
    %dma_start3A_13 = tpu.memref_slice %arg3[%dma_start3A_11, %dma_start3A_12] : memref<16384x128xf32, #tpu.memory_space<hbm>> -> memref<16384x128xf32, #tpu.memory_space<hbm>>
    tpu.enqueue_indirect_dma source(%dma_start3A_13 : memref<16384x128xf32, #tpu.memory_space<hbm>>) target(%dma_start3A_7 : memref<128x128xf32, #tpu.memory_space<vmem>>) offsets(%dma_start3A_10 : memref<128xi32, #tpu.memory_space<vmem>>) semaphore(%arg7 : memref<!tpu.dma_semaphore, #tpu.memory_space<semaphore_mem>>)
    %dma_start3A_14 = arith.constant 1 : i32
    %dma_start3A_15 = arith.constant 1 : i32
    %dma_start3A_16 = arith.constant 0 : i32
    %dma_start3A_17 = arith.constant 0 : i32
    %dma_start3A_18 = tpu.memref_slice %arg6[%dma_start3A_15, %dma_start3A_16, %dma_start3A_17] : memref<3x128x128xf32, #tpu.memory_space<vmem>> -> memref<1x128x128xf32, #tpu.memory_space<vmem>>
    %dma_start3A_19 = tpu.memref_squeeze %dma_start3A_18 : memref<1x128x128xf32, #tpu.memory_space<vmem>> -> memref<128x128xf32, #tpu.memory_space<vmem>>
    %dma_start3A_20 = arith.constant 0 : i32
    %dma_start3A_21 = tpu.memref_slice %arg5[%dma_start3A_14, %dma_start3A_20] : memref<3x128xi32, #tpu.memory_space<vmem>> -> memref<1x128xi32, #tpu.memory_space<vmem>>
    %dma_start3A_22 = tpu.memref_squeeze %dma_start3A_21 : memref<1x128xi32, #tpu.memory_space<vmem>> -> memref<128xi32, #tpu.memory_space<vmem>>
    %dma_start3A_23 = arith.constant 0 : i32
    %dma_start3A_24 = arith.constant 0 : i32
    %dma_start3A_25 = tpu.memref_slice %arg3[%dma_start3A_23, %dma_start3A_24] : memref<16384x128xf32, #tpu.memory_space<hbm>> -> memref<16384x128xf32, #tpu.memory_space<hbm>>
    tpu.enqueue_indirect_dma source(%dma_start3A_25 : memref<16384x128xf32, #tpu.memory_space<hbm>>) target(%dma_start3A_19 : memref<128x128xf32, #tpu.memory_space<vmem>>) offsets(%dma_start3A_22 : memref<128xi32, #tpu.memory_space<vmem>>) semaphore(%arg7 : memref<!tpu.dma_semaphore, #tpu.memory_space<semaphore_mem>>)
    %dma_start3A_26 = arith.constant 2 : i32
    %dma_start3A_27 = arith.constant 2 : i32
    %dma_start3A_28 = arith.constant 0 : i32
    %dma_start3A_29 = arith.constant 0 : i32
    %dma_start3A_30 = tpu.memref_slice %arg6[%dma_start3A_27, %dma_start3A_28, %dma_start3A_29] : memref<3x128x128xf32, #tpu.memory_space<vmem>> -> memref<1x128x128xf32, #tpu.memory_space<vmem>>
    %dma_start3A_31 = tpu.memref_squeeze %dma_start3A_30 : memref<1x128x128xf32, #tpu.memory_space<vmem>> -> memref<128x128xf32, #tpu.memory_space<vmem>>
    %dma_start3A_32 = arith.constant 0 : i32
    %dma_start3A_33 = tpu.memref_slice %arg5[%dma_start3A_26, %dma_start3A_32] : memref<3x128xi32, #tpu.memory_space<vmem>> -> memref<1x128xi32, #tpu.memory_space<vmem>>
    %dma_start3A_34 = tpu.memref_squeeze %dma_start3A_33 : memref<1x128xi32, #tpu.memory_space<vmem>> -> memref<128xi32, #tpu.memory_space<vmem>>
    %dma_start3A_35 = arith.constant 0 : i32
    %dma_start3A_36 = arith.constant 0 : i32
    %dma_start3A_37 = tpu.memref_slice %arg3[%dma_start3A_35, %dma_start3A_36] : memref<16384x128xf32, #tpu.memory_space<hbm>> -> memref<16384x128xf32, #tpu.memory_space<hbm>>
    tpu.enqueue_indirect_dma source(%dma_start3A_37 : memref<16384x128xf32, #tpu.memory_space<hbm>>) target(%dma_start3A_31 : memref<128x128xf32, #tpu.memory_space<vmem>>) offsets(%dma_start3A_34 : memref<128xi32, #tpu.memory_space<vmem>>) semaphore(%arg7 : memref<!tpu.dma_semaphore, #tpu.memory_space<semaphore_mem>>)
    %dma_wait3A = arith.constant 0 : i32
    %dma_wait3A_38 = arith.constant 0 : i32
    %dma_wait3A_39 = arith.constant 0 : i32
    %dma_wait3A_40 = arith.constant 0 : i32
    %dma_wait3A_41 = tpu.memref_slice %arg6[%dma_wait3A_38, %dma_wait3A_39, %dma_wait3A_40] : memref<3x128x128xf32, #tpu.memory_space<vmem>> -> memref<1x128x128xf32, #tpu.memory_space<vmem>>
    %dma_wait3A_42 = tpu.memref_squeeze %dma_wait3A_41 : memref<1x128x128xf32, #tpu.memory_space<vmem>> -> memref<128x128xf32, #tpu.memory_space<vmem>>
    %dma_wait3A_43 = arith.constant 0 : i32
    %dma_wait3A_44 = tpu.memref_slice %arg5[%dma_wait3A, %dma_wait3A_43] : memref<3x128xi32, #tpu.memory_space<vmem>> -> memref<1x128xi32, #tpu.memory_space<vmem>>
    %dma_wait3A_45 = tpu.memref_squeeze %dma_wait3A_44 : memref<1x128xi32, #tpu.memory_space<vmem>> -> memref<128xi32, #tpu.memory_space<vmem>>
    %dma_wait3A_46 = arith.constant 0 : i32
    %dma_wait3A_47 = arith.constant 0 : i32
    %dma_wait3A_48 = tpu.memref_slice %arg3[%dma_wait3A_46, %dma_wait3A_47] : memref<16384x128xf32, #tpu.memory_space<hbm>> -> memref<16384x128xf32, #tpu.memory_space<hbm>>
    tpu.wait_indirect_dma semaphore(%arg7 : memref<!tpu.dma_semaphore, #tpu.memory_space<semaphore_mem>>) src(%dma_wait3A_48 : memref<16384x128xf32, #tpu.memory_space<hbm>>) dst(%dma_wait3A_42 : memref<128x128xf32, #tpu.memory_space<vmem>>)
    %dma_wait3A_49 = arith.constant 1 : i32
    %dma_wait3A_50 = arith.constant 1 : i32
    %dma_wait3A_51 = arith.constant 0 : i32
    %dma_wait3A_52 = arith.constant 0 : i32
    %dma_wait3A_53 = tpu.memref_slice %arg6[%dma_wait3A_50, %dma_wait3A_51, %dma_wait3A_52] : memref<3x128x128xf32, #tpu.memory_space<vmem>> -> memref<1x128x128xf32, #tpu.memory_space<vmem>>
    %dma_wait3A_54 = tpu.memref_squeeze %dma_wait3A_53 : memref<1x128x128xf32, #tpu.memory_space<vmem>> -> memref<128x128xf32, #tpu.memory_space<vmem>>
    %dma_wait3A_55 = arith.constant 0 : i32
    %dma_wait3A_56 = tpu.memref_slice %arg5[%dma_wait3A_49, %dma_wait3A_55] : memref<3x128xi32, #tpu.memory_space<vmem>> -> memref<1x128xi32, #tpu.memory_space<vmem>>
    %dma_wait3A_57 = tpu.memref_squeeze %dma_wait3A_56 : memref<1x128xi32, #tpu.memory_space<vmem>> -> memref<128xi32, #tpu.memory_space<vmem>>
    %dma_wait3A_58 = arith.constant 0 : i32
    %dma_wait3A_59 = arith.constant 0 : i32
    %dma_wait3A_60 = tpu.memref_slice %arg3[%dma_wait3A_58, %dma_wait3A_59] : memref<16384x128xf32, #tpu.memory_space<hbm>> -> memref<16384x128xf32, #tpu.memory_space<hbm>>
    tpu.wait_indirect_dma semaphore(%arg7 : memref<!tpu.dma_semaphore, #tpu.memory_space<semaphore_mem>>) src(%dma_wait3A_60 : memref<16384x128xf32, #tpu.memory_space<hbm>>) dst(%dma_wait3A_54 : memref<128x128xf32, #tpu.memory_space<vmem>>)
    %dma_wait3A_61 = arith.constant 2 : i32
    %dma_wait3A_62 = arith.constant 2 : i32
    %dma_wait3A_63 = arith.constant 0 : i32
    %dma_wait3A_64 = arith.constant 0 : i32
    %dma_wait3A_65 = tpu.memref_slice %arg6[%dma_wait3A_62, %dma_wait3A_63, %dma_wait3A_64] : memref<3x128x128xf32, #tpu.memory_space<vmem>> -> memref<1x128x128xf32, #tpu.memory_space<vmem>>
    %dma_wait3A_66 = tpu.memref_squeeze %dma_wait3A_65 : memref<1x128x128xf32, #tpu.memory_space<vmem>> -> memref<128x128xf32, #tpu.memory_space<vmem>>
    %dma_wait3A_67 = arith.constant 0 : i32
    %dma_wait3A_68 = tpu.memref_slice %arg5[%dma_wait3A_61, %dma_wait3A_67] : memref<3x128xi32, #tpu.memory_space<vmem>> -> memref<1x128xi32, #tpu.memory_space<vmem>>
    %dma_wait3A_69 = tpu.memref_squeeze %dma_wait3A_68 : memref<1x128xi32, #tpu.memory_space<vmem>> -> memref<128xi32, #tpu.memory_space<vmem>>
    %dma_wait3A_70 = arith.constant 0 : i32
    %dma_wait3A_71 = arith.constant 0 : i32
    %dma_wait3A_72 = tpu.memref_slice %arg3[%dma_wait3A_70, %dma_wait3A_71] : memref<16384x128xf32, #tpu.memory_space<hbm>> -> memref<16384x128xf32, #tpu.memory_space<hbm>>
    tpu.wait_indirect_dma semaphore(%arg7 : memref<!tpu.dma_semaphore, #tpu.memory_space<semaphore_mem>>) src(%dma_wait3A_72 : memref<16384x128xf32, #tpu.memory_space<hbm>>) dst(%dma_wait3A_66 : memref<128x128xf32, #tpu.memory_space<vmem>>)
    "tpu.region"() ({
      %run_scoped3A = tpu.sem_alloc : memref<!tpu.dma_semaphore, #tpu.memory_space<semaphore_mem>>
      %dma_start3A_73 = arith.constant 0 : i32
      %dma_start3A_74 = arith.constant 0 : i32
      %dma_start3A_75 = tpu.memref_slice %arg4[%dma_start3A_73, %mul3A_2, %dma_start3A_74] : memref<3x4096x128xf32, #tpu.memory_space<hbm>> -> memref<3x128x128xf32, #tpu.memory_space<hbm>>
      %dma_start3A_76 = arith.constant 0 : i32
      %dma_start3A_77 = arith.constant 0 : i32
      %dma_start3A_78 = tpu.memref_slice %arg4[%dma_start3A_76, %mul3A_2, %dma_start3A_77] : memref<3x4096x128xf32, #tpu.memory_space<hbm>> -> memref<3x128x128xf32, #tpu.memory_space<hbm>>
      tpu.enqueue_dma source(%arg6 : memref<3x128x128xf32, #tpu.memory_space<vmem>>) target(%dma_start3A_78 : memref<3x128x128xf32, #tpu.memory_space<hbm>>) target_semaphore(%run_scoped3A : memref<!tpu.dma_semaphore, #tpu.memory_space<semaphore_mem>>)
      %dma_wait3A_79 = arith.constant 0 : i32
      %dma_wait3A_80 = arith.constant 0 : i32
      %dma_wait3A_81 = tpu.memref_slice %arg4[%dma_wait3A_79, %mul3A_2, %dma_wait3A_80] : memref<3x4096x128xf32, #tpu.memory_space<hbm>> -> memref<3x128x128xf32, #tpu.memory_space<hbm>>
      %dma_wait3A_82 = arith.constant 0 : i32
      %dma_wait3A_83 = arith.constant 0 : i32
      %dma_wait3A_84 = tpu.memref_slice %arg4[%dma_wait3A_82, %mul3A_2, %dma_wait3A_83] : memref<3x4096x128xf32, #tpu.memory_space<hbm>> -> memref<3x128x128xf32, #tpu.memory_space<hbm>>
      tpu.wait_dma2 semaphore(%run_scoped3A : memref<!tpu.dma_semaphore, #tpu.memory_space<semaphore_mem>>) src(%arg6 : memref<3x128x128xf32, #tpu.memory_space<vmem>>) dst(%dma_wait3A_84 : memref<3x128x128xf32, #tpu.memory_space<hbm>>)
      tpu.yield
    }) : () -> ()
    return
  }
}

module attributes {stable_mosaic.version = 14 : i64} {
  func.func @_combine_body(%arg0: i32, %arg1: memref<3x128x128xf32, #tpu.memory_space<vmem>>, %arg2: memref<128x3xf32, #tpu.memory_space<vmem>>, %arg3: memref<128x128xf32, #tpu.memory_space<vmem>>) attributes {dimension_semantics = [#tpu.dimension_semantics<arbitrary>], iteration_bounds = array<i64: 32>, scalar_prefetch = 0 : i64, scratch_operands = 0 : i64, tpu.core_type = #tpu.core_type<tc>, window_params = [{transform_indices = @transform_0, window_bounds = array<i64: 3, 128, 128>}, {transform_indices = @transform_1, window_bounds = array<i64: 128, 3>}, {transform_indices = @transform_2, window_bounds = array<i64: 128, 128>}]} {
    %get3A = arith.constant 0 : index
    %get3A_0 = arith.constant 0 : index
    %get3A_1 = vector.load %arg2[%get3A, %get3A_0] : memref<128x3xf32, #tpu.memory_space<vmem>>, vector<128x3xf32>
    %get3A_2 = arith.constant 0 : index
    %get3A_3 = arith.constant 0 : index
    %get3A_4 = arith.constant 0 : index
    %get3A_5 = vector.load %arg1[%get3A_2, %get3A_3, %get3A_4] : memref<3x128x128xf32, #tpu.memory_space<vmem>>, vector<1x128x128xf32>
    %get3A_6 = vector.shape_cast %get3A_5 : vector<1x128x128xf32> to vector<128x128xf32>
    %slice3A = vector.extract_strided_slice %get3A_1 {offsets = [0, 0], sizes = [128, 1], strides = [1, 1]} : vector<128x3xf32> to vector<128x1xf32>
    %mul3A = vector.broadcast %slice3A : vector<128x1xf32> to vector<128x128xf32>
    %mul3A_7 = arith.mulf %get3A_6, %mul3A : vector<128x128xf32>
    %get3A_8 = arith.constant 1 : index
    %get3A_9 = arith.constant 0 : index
    %get3A_10 = arith.constant 0 : index
    %get3A_11 = vector.load %arg1[%get3A_8, %get3A_9, %get3A_10] : memref<3x128x128xf32, #tpu.memory_space<vmem>>, vector<1x128x128xf32>
    %get3A_12 = vector.shape_cast %get3A_11 : vector<1x128x128xf32> to vector<128x128xf32>
    %slice3A_13 = vector.extract_strided_slice %get3A_1 {offsets = [0, 1], sizes = [128, 1], strides = [1, 1]} : vector<128x3xf32> to vector<128x1xf32>
    %mul3A_14 = vector.broadcast %slice3A_13 : vector<128x1xf32> to vector<128x128xf32>
    %mul3A_15 = arith.mulf %get3A_12, %mul3A_14 : vector<128x128xf32>
    %add3A = arith.addf %mul3A_7, %mul3A_15 : vector<128x128xf32>
    %get3A_16 = arith.constant 2 : index
    %get3A_17 = arith.constant 0 : index
    %get3A_18 = arith.constant 0 : index
    %get3A_19 = vector.load %arg1[%get3A_16, %get3A_17, %get3A_18] : memref<3x128x128xf32, #tpu.memory_space<vmem>>, vector<1x128x128xf32>
    %get3A_20 = vector.shape_cast %get3A_19 : vector<1x128x128xf32> to vector<128x128xf32>
    %slice3A_21 = vector.extract_strided_slice %get3A_1 {offsets = [0, 2], sizes = [128, 1], strides = [1, 1]} : vector<128x3xf32> to vector<128x1xf32>
    %mul3A_22 = vector.broadcast %slice3A_21 : vector<128x1xf32> to vector<128x128xf32>
    %mul3A_23 = arith.mulf %get3A_20, %mul3A_22 : vector<128x128xf32>
    %add3A_24 = arith.addf %add3A, %mul3A_23 : vector<128x128xf32>
    %swap3A = arith.constant 0 : index
    %swap3A_25 = arith.constant 0 : index
    %swap3A_26 = vector.load %arg3[%swap3A, %swap3A_25] : memref<128x128xf32, #tpu.memory_space<vmem>>, vector<128x128xf32>
    tpu.vector_store %arg3[%swap3A, %swap3A_25], %add3A_24 {strides = array<i32>} : memref<128x128xf32, #tpu.memory_space<vmem>>, vector<128x128xf32>,
    return
  }
  func.func @transform_0(%arg0: i32) -> (i32, i32, i32) {
    %c0_i32 = arith.constant 0 : i32
    %c0_i32_0 = arith.constant 0 : i32
    %c0_i32_1 = arith.constant 0 : i32
    return %c0_i32, %arg0, %c0_i32_0 : i32, i32, i32
  }
  func.func @transform_1(%arg0: i32) -> (i32, i32) {
    %c0_i32 = arith.constant 0 : i32
    %c0_i32_0 = arith.constant 0 : i32
    return %arg0, %c0_i32 : i32, i32
  }
  func.func @transform_2(%arg0: i32) -> (i32, i32) {
    %c0_i32 = arith.constant 0 : i32
    %c0_i32_0 = arith.constant 0 : i32
    return %arg0, %c0_i32 : i32, i32
  }
}

module attributes {stable_mosaic.version = 14 : i64} {
  func.func @_nn3_body(%arg0: i32, %arg1: memref<128x3xf32, #tpu.memory_space<vmem>>, %arg2: memref<3x16384xf32, #tpu.memory_space<vmem>>, %arg3: memref<3x128xi32, #tpu.memory_space<vmem>>, %arg4: memref<128x3xf32, #tpu.memory_space<vmem>>, %arg5: memref<128x16384xf32, #tpu.memory_space<vmem>>) attributes {dimension_semantics = [#tpu.dimension_semantics<arbitrary>], iteration_bounds = array<i64: 32>, scalar_prefetch = 0 : i64, scratch_operands = 1 : i64, tpu.core_type = #tpu.core_type<tc>, window_params = [{transform_indices = @transform_0, window_bounds = array<i64: 128, 3>}, {pipeline_mode = #tpu.pipeline_mode<synchronous>, transform_indices = @transform_1, window_bounds = array<i64: 3, 16384>}, {transform_indices = @transform_2, window_bounds = array<i64: 3, 128>}, {transform_indices = @transform_3, window_bounds = array<i64: 128, 3>}]} {
    %get3A = arith.constant 0 : index
    %get3A_0 = arith.constant 0 : index
    %get3A_1 = vector.load %arg1[%get3A, %get3A_0] : memref<128x3xf32, #tpu.memory_space<vmem>>, vector<128x3xf32>
    %slice3A = vector.extract_strided_slice %get3A_1 {offsets = [0, 0], sizes = [128, 1], strides = [1, 1]} : vector<128x3xf32> to vector<128x1xf32>
    %slice3A_2 = vector.extract_strided_slice %get3A_1 {offsets = [0, 1], sizes = [128, 1], strides = [1, 1]} : vector<128x3xf32> to vector<128x1xf32>
    %slice3A_3 = vector.extract_strided_slice %get3A_1 {offsets = [0, 2], sizes = [128, 1], strides = [1, 1]} : vector<128x3xf32> to vector<128x1xf32>
    %broadcast_in_dim3A = arith.constant 0x7F800000 : f32
    %broadcast_in_dim3A_4 = vector.broadcast %broadcast_in_dim3A : f32 to vector<128x128xf32>
    %scan3A = arith.constant 0 : i32
    %scan3A_5 = arith.constant 128 : i32
    %scan3A_6 = arith.addi %scan3A, %scan3A_5 : i32
    %scan3A_7 = arith.constant 1 : i32
    %scan3A_8:3 = scf.for %scan3A_93 = %scan3A to %scan3A_6 step %scan3A_7 iter_args(%scan3A_94 = %broadcast_in_dim3A_4, %scan3A_95 = %broadcast_in_dim3A_4, %scan3A_96 = %broadcast_in_dim3A_4) -> (vector<128x128xf32>, vector<128x128xf32>, vector<128x128xf32>)  : i32 {
      %mul3A = arith.constant 128 : i32
      %mul3A_97 = arith.muli %scan3A_93, %mul3A : i32
      %get3A_98 = arith.constant 0 : index
      %get3A_99 = arith.index_cast %mul3A_97 : i32 to index
      %get3A_100 = vector.load %arg2[%get3A_98, %get3A_99] : memref<3x16384xf32, #tpu.memory_space<vmem>>, vector<1x128xf32>
      %get3A_101 = arith.constant 1 : index
      %get3A_102 = arith.index_cast %mul3A_97 : i32 to index
      %get3A_103 = vector.load %arg2[%get3A_101, %get3A_102] : memref<3x16384xf32, #tpu.memory_space<vmem>>, vector<1x128xf32>
      %get3A_104 = arith.constant 2 : index
      %get3A_105 = arith.index_cast %mul3A_97 : i32 to index
      %get3A_106 = vector.load %arg2[%get3A_104, %get3A_105] : memref<3x16384xf32, #tpu.memory_space<vmem>>, vector<1x128xf32>
      %sub3A = vector.broadcast %slice3A : vector<128x1xf32> to vector<128x128xf32>
      %sub3A_107 = vector.broadcast %get3A_100 : vector<1x128xf32> to vector<128x128xf32>
      %sub3A_108 = arith.subf %sub3A, %sub3A_107 : vector<128x128xf32>
      %sub3A_109 = vector.broadcast %slice3A_2 : vector<128x1xf32> to vector<128x128xf32>
      %sub3A_110 = vector.broadcast %get3A_103 : vector<1x128xf32> to vector<128x128xf32>
      %sub3A_111 = arith.subf %sub3A_109, %sub3A_110 : vector<128x128xf32>
      %sub3A_112 = vector.broadcast %slice3A_3 : vector<128x1xf32> to vector<128x128xf32>
      %sub3A_113 = vector.broadcast %get3A_106 : vector<1x128xf32> to vector<128x128xf32>
      %sub3A_114 = arith.subf %sub3A_112, %sub3A_113 : vector<128x128xf32>
      %mul3A_115 = arith.mulf %sub3A_108, %sub3A_108 : vector<128x128xf32>
      %mul3A_116 = arith.mulf %sub3A_111, %sub3A_111 : vector<128x128xf32>
      %add3A_117 = arith.addf %mul3A_115, %mul3A_116 : vector<128x128xf32>
      %mul3A_118 = arith.mulf %sub3A_114, %sub3A_114 : vector<128x128xf32>
      %add3A_119 = arith.addf %add3A_117, %mul3A_118 : vector<128x128xf32>
      %swap3A_120 = arith.constant 0 : index
      %swap3A_121 = arith.index_cast %mul3A_97 : i32 to index
      %swap3A_122 = vector.load %arg5[%swap3A_120, %swap3A_121] : memref<128x16384xf32, #tpu.memory_space<vmem>>, vector<128x128xf32>
      tpu.vector_store %arg5[%swap3A_120, %swap3A_121], %add3A_119 {strides = array<i32>} : memref<128x16384xf32, #tpu.memory_space<vmem>>, vector<128x128xf32>,
      %max3A_123 = arith.maximumf %scan3A_94, %add3A_119 : vector<128x128xf32>
      %min3A = arith.minimumf %scan3A_94, %add3A_119 : vector<128x128xf32>
      %max3A_124 = arith.maximumf %scan3A_95, %max3A_123 : vector<128x128xf32>
      %min3A_125 = arith.minimumf %scan3A_95, %max3A_123 : vector<128x128xf32>
      %min3A_126 = arith.minimumf %scan3A_96, %max3A_124 : vector<128x128xf32>
      scf.yield %min3A, %min3A_125, %min3A_126 : vector<128x128xf32>, vector<128x128xf32>, vector<128x128xf32>
    }
    %scan3A_9 = arith.constant 128 : i32
    %reduce_min3A = arith.constant dense<0x7F800000> : vector<128xf32>
    %reduce_min3A_10 = vector.multi_reduction <minimumf>, %scan3A_8#0, %reduce_min3A [1] : vector<128x128xf32> to vector<128xf32>
    %broadcast_in_dim3A_11 = vector.shape_cast %reduce_min3A_10 : vector<128xf32> to vector<128x1xf32>
    %eq3A = vector.broadcast %broadcast_in_dim3A_11 : vector<128x1xf32> to vector<128x128xf32>
    %eq3A_12 = arith.cmpf oeq, %scan3A_8#0, %eq3A : vector<128x128xf32>
    %select_n3A = arith.select %eq3A_12, %scan3A_8#1, %scan3A_8#0 : vector<128x128xi1>, vector<128x128xf32>
    %select_n3A_13 = arith.select %eq3A_12, %scan3A_8#2, %scan3A_8#1 : vector<128x128xi1>, vector<128x128xf32>
    %reduce_min3A_14 = arith.constant dense<0x7F800000> : vector<128xf32>
    %reduce_min3A_15 = vector.multi_reduction <minimumf>, %select_n3A, %reduce_min3A_14 [1] : vector<128x128xf32> to vector<128xf32>
    %broadcast_in_dim3A_16 = vector.shape_cast %reduce_min3A_15 : vector<128xf32> to vector<128x1xf32>
    %eq3A_17 = vector.broadcast %broadcast_in_dim3A_16 : vector<128x1xf32> to vector<128x128xf32>
    %eq3A_18 = arith.cmpf oeq, %select_n3A, %eq3A_17 : vector<128x128xf32>
    %select_n3A_19 = arith.select %eq3A_18, %select_n3A_13, %select_n3A : vector<128x128xi1>, vector<128x128xf32>
    %reduce_min3A_20 = arith.constant dense<0x7F800000> : vector<128xf32>
    %reduce_min3A_21 = vector.multi_reduction <minimumf>, %select_n3A_19, %reduce_min3A_20 [1] : vector<128x128xf32> to vector<128xf32>
    %broadcast_in_dim3A_22 = vector.shape_cast %reduce_min3A_21 : vector<128xf32> to vector<128x1xf32>
    %iota3A = tpu.iota {dimensions = array<i32: 1>} : vector<1x16384xi32>
    %convert_element_type3A = arith.sitofp %iota3A : vector<1x16384xi32> to vector<1x16384xf32>
    %get3A_23 = arith.constant 0 : index
    %get3A_24 = arith.constant 0 : index
    %get3A_25 = vector.load %arg5[%get3A_23, %get3A_24] : memref<128x16384xf32, #tpu.memory_space<vmem>>, vector<128x16384xf32>
    %eq3A_26 = vector.broadcast %broadcast_in_dim3A_11 : vector<128x1xf32> to vector<128x16384xf32>
    %eq3A_27 = arith.cmpf oeq, %get3A_25, %eq3A_26 : vector<128x16384xf32>
    %jit3A = arith.constant 1.638400e+04 : f32
    %broadcast_in_dim3A_28 = vector.shape_cast %convert_element_type3A : vector<1x16384xf32> to vector<1x16384xf32>
    %broadcast_in_dim3A_29 = vector.broadcast %broadcast_in_dim3A_28 : vector<1x16384xf32> to vector<128x16384xf32>
    %broadcast_in_dim3A_30 = vector.broadcast %jit3A : f32 to vector<128x16384xf32>
    %select_n3A_31 = arith.select %eq3A_27, %broadcast_in_dim3A_29, %broadcast_in_dim3A_30 : vector<128x16384xi1>, vector<128x16384xf32>
    %reduce_min3A_32 = arith.constant dense<0x7F800000> : vector<128xf32>
    %reduce_min3A_33 = vector.multi_reduction <minimumf>, %select_n3A_31, %reduce_min3A_32 [1] : vector<128x16384xf32> to vector<128xf32>
    %broadcast_in_dim3A_34 = vector.shape_cast %reduce_min3A_33 : vector<128xf32> to vector<128x1xf32>
    %eq3A_35 = vector.broadcast %broadcast_in_dim3A_16 : vector<128x1xf32> to vector<128x16384xf32>
    %eq3A_36 = arith.cmpf oeq, %get3A_25, %eq3A_35 : vector<128x16384xf32>
    %jit3A_37 = arith.constant 1.638400e+04 : f32
    %broadcast_in_dim3A_38 = vector.shape_cast %convert_element_type3A : vector<1x16384xf32> to vector<1x16384xf32>
    %broadcast_in_dim3A_39 = vector.broadcast %broadcast_in_dim3A_38 : vector<1x16384xf32> to vector<128x16384xf32>
    %broadcast_in_dim3A_40 = vector.broadcast %jit3A_37 : f32 to vector<128x16384xf32>
    %select_n3A_41 = arith.select %eq3A_36, %broadcast_in_dim3A_39, %broadcast_in_dim3A_40 : vector<128x16384xi1>, vector<128x16384xf32>
    %reduce_min3A_42 = arith.constant dense<0x7F800000> : vector<128xf32>
    %reduce_min3A_43 = vector.multi_reduction <minimumf>, %select_n3A_41, %reduce_min3A_42 [1] : vector<128x16384xf32> to vector<128xf32>
    %broadcast_in_dim3A_44 = vector.shape_cast %reduce_min3A_43 : vector<128xf32> to vector<128x1xf32>
    %eq3A_45 = vector.broadcast %broadcast_in_dim3A_22 : vector<128x1xf32> to vector<128x16384xf32>
    %eq3A_46 = arith.cmpf oeq, %get3A_25, %eq3A_45 : vector<128x16384xf32>
    %jit3A_47 = arith.constant 1.638400e+04 : f32
    %broadcast_in_dim3A_48 = vector.shape_cast %convert_element_type3A : vector<1x16384xf32> to vector<1x16384xf32>
    %broadcast_in_dim3A_49 = vector.broadcast %broadcast_in_dim3A_48 : vector<1x16384xf32> to vector<128x16384xf32>
    %broadcast_in_dim3A_50 = vector.broadcast %jit3A_47 : f32 to vector<128x16384xf32>
    %select_n3A_51 = arith.select %eq3A_46, %broadcast_in_dim3A_49, %broadcast_in_dim3A_50 : vector<128x16384xi1>, vector<128x16384xf32>
    %reduce_min3A_52 = arith.constant dense<0x7F800000> : vector<128xf32>
    %reduce_min3A_53 = vector.multi_reduction <minimumf>, %select_n3A_51, %reduce_min3A_52 [1] : vector<128x16384xf32> to vector<128xf32>
    %broadcast_in_dim3A_54 = vector.shape_cast %reduce_min3A_53 : vector<128xf32> to vector<128x1xf32>
    %max3A = arith.constant 9.99999996E-13 : f32
    %max3A_55 = vector.broadcast %max3A : f32 to vector<128x1xf32>
    %max3A_56 = arith.maximumf %broadcast_in_dim3A_11, %max3A_55 : vector<128x1xf32>
    %sqrt3A = math.sqrt %max3A_56 : vector<128x1xf32>
    %max3A_57 = arith.constant 9.99999996E-13 : f32
    %max3A_58 = vector.broadcast %max3A_57 : f32 to vector<128x1xf32>
    %max3A_59 = arith.maximumf %broadcast_in_dim3A_16, %max3A_58 : vector<128x1xf32>
    %sqrt3A_60 = math.sqrt %max3A_59 : vector<128x1xf32>
    %max3A_61 = arith.constant 9.99999996E-13 : f32
    %max3A_62 = vector.broadcast %max3A_61 : f32 to vector<128x1xf32>
    %max3A_63 = arith.maximumf %broadcast_in_dim3A_22, %max3A_62 : vector<128x1xf32>
    %sqrt3A_64 = math.sqrt %max3A_63 : vector<128x1xf32>
    %add3A = arith.constant 9.99999993E-9 : f32
    %add3A_65 = vector.broadcast %add3A : f32 to vector<128x1xf32>
    %add3A_66 = arith.addf %sqrt3A, %add3A_65 : vector<128x1xf32>
    %div3A = arith.constant 1.000000e+00 : f32
    %div3A_67 = vector.broadcast %div3A : f32 to vector<128x1xf32>
    %div3A_68 = arith.divf %div3A_67, %add3A_66 : vector<128x1xf32>
    %add3A_69 = arith.constant 9.99999993E-9 : f32
    %add3A_70 = vector.broadcast %add3A_69 : f32 to vector<128x1xf32>
    %add3A_71 = arith.addf %sqrt3A_60, %add3A_70 : vector<128x1xf32>
    %div3A_72 = arith.constant 1.000000e+00 : f32
    %div3A_73 = vector.broadcast %div3A_72 : f32 to vector<128x1xf32>
    %div3A_74 = arith.divf %div3A_73, %add3A_71 : vector<128x1xf32>
    %add3A_75 = arith.constant 9.99999993E-9 : f32
    %add3A_76 = vector.broadcast %add3A_75 : f32 to vector<128x1xf32>
    %add3A_77 = arith.addf %sqrt3A_64, %add3A_76 : vector<128x1xf32>
    %div3A_78 = arith.constant 1.000000e+00 : f32
    %div3A_79 = vector.broadcast %div3A_78 : f32 to vector<128x1xf32>
    %div3A_80 = arith.divf %div3A_79, %add3A_77 : vector<128x1xf32>
    %add3A_81 = arith.addf %div3A_68, %div3A_74 : vector<128x1xf32>
    %add3A_82 = arith.addf %add3A_81, %div3A_80 : vector<128x1xf32>
    %concatenate3A = tpu.concatenate %broadcast_in_dim3A_34, %broadcast_in_dim3A_44, %broadcast_in_dim3A_54 in 1 : vector<128x1xf32>, vector<128x1xf32>, vector<128x1xf32> -> vector<128x3xf32>
    %convert_element_type3A_83 = arith.fptosi %concatenate3A : vector<128x3xf32> to vector<128x3xi32>
    %transpose3A = tpu.transpose %convert_element_type3A_83, [1, 0] : vector<128x3xi32> -> vector<3x128xi32>
    %swap3A = arith.constant 0 : index
    %swap3A_84 = arith.constant 0 : index
    %swap3A_85 = vector.load %arg3[%swap3A, %swap3A_84] : memref<3x128xi32, #tpu.memory_space<vmem>>, vector<3x128xi32>
    tpu.vector_store %arg3[%swap3A, %swap3A_84], %transpose3A {strides = array<i32>} : memref<3x128xi32, #tpu.memory_space<vmem>>, vector<3x128xi32>,
    %div3A_86 = arith.divf %div3A_68, %add3A_82 : vector<128x1xf32>
    %div3A_87 = arith.divf %div3A_74, %add3A_82 : vector<128x1xf32>
    %div3A_88 = arith.divf %div3A_80, %add3A_82 : vector<128x1xf32>
    %concatenate3A_89 = tpu.concatenate %div3A_86, %div3A_87, %div3A_88 in 1 : vector<128x1xf32>, vector<128x1xf32>, vector<128x1xf32> -> vector<128x3xf32>
    %swap3A_90 = arith.constant 0 : index
    %swap3A_91 = arith.constant 0 : index
    %swap3A_92 = vector.load %arg4[%swap3A_90, %swap3A_91] : memref<128x3xf32, #tpu.memory_space<vmem>>, vector<128x3xf32>
    tpu.vector_store %arg4[%swap3A_90, %swap3A_91], %concatenate3A_89 {strides = array<i32>} : memref<128x3xf32, #tpu.memory_space<vmem>>, vector<128x3xf32>,
    return
  }
  func.func @transform_0(%arg0: i32) -> (i32, i32) {
    %c0_i32 = arith.constant 0 : i32
    %c0_i32_0 = arith.constant 0 : i32
    return %arg0, %c0_i32 : i32, i32
  }
  func.func @transform_1(%arg0: i32) -> (i32, i32) {
    %c0_i32 = arith.constant 0 : i32
    %c0_i32_0 = arith.constant 0 : i32
    %c0_i32_1 = arith.constant 0 : i32
    return %c0_i32, %c0_i32_0 : i32, i32
  }
  func.func @transform_2(%arg0: i32) -> (i32, i32) {
    %c0_i32 = arith.constant 0 : i32
    %c0_i32_0 = arith.constant 0 : i32
    return %c0_i32, %arg0 : i32, i32
  }
  func.func @transform_3(%arg0: i32) -> (i32, i32) {
    %c0_i32 = arith.constant 0 : i32
    %c0_i32_0 = arith.constant 0 : i32
    return %arg0, %c0_i32 : i32, i32
  }
}

</mosaic_0001>

<sc_bundles>
// kernel: kernel.5.cloned.1.call-start
scs
__scs_entry_jumppad:
0x0: {  	(pc) =	sbr.rel $0x88, $3  }
0x1: {  	(tag) =	ssettag $0x0;
	lr =	simm.s32 $0x1  }
0x2: {  	[smem:$0x3F9E] =	sst lr;
	_ =	strace $0xD0000000  }
0x3: {  	_ = 	snop  }
0x4: {  	_ = 	snop  }
0x5: {  	_ = 	snop  }
0x6: {  	_ = 	snop  }
0x7: {  	_ = 	snop  }
__scs_overlays_trampoline_lowered:
0x8: {  	[smem:$0x3FAD] =	sst s0  }
0x9: {  	[smem:$0x3FAE] =	sst s1  }
0xa: {  	[smem:$0x3FAF] =	sst s2  }
0xb: {  	[smem:$0x3FB0] =	sst s3  }
0xc: {  	[smem:$0x3FB1] =	sst s4  }
0xd: {  	[smem:$0x3FB2] =	sst s5  }
0xe: {  	[smem:$0x3FB3] =	sst s6  }
0xf: {  	[smem:$0x3FB4] =	sst s7  }
0x10: {  	[smem:$0x3FB5] =	sst s8  }
0x11: {  	[smem:$0x3FB6] =	sst s9;
	s0 =	simm.s32 @!p0 $0x0  }
0x12: {  	s1 =	sld [smem:$0x3F9C];
	s0 =	simm.s32 @p0 $0x1  }
0x13: {  	[smem:$0x3FB7] =	sst s0;
	s0 =	simm.s32 @!p1 $0x0  }
0x14: {  	s2 =	sld [smem:$0x3F9B];
	s0 =	simm.s32 @p1 $0x1  }
0x15: {  	[smem:$0x3FB8] =	sst s0;
	s0 =	simm.s32 @!p2 $0x0  }
0x16: {  	s3 =	sld [smem:$0x3FDB];
	s0 =	simm.s32 @p2 $0x1  }
0x17: {  	s4 =	simm.s32 $0x1BF5;
	[smem:$0x3FBA] =	sst s0  }
0x18: {  	s0 =	sld [smem:$0x3F9D];
	_ =	swait.ge [sflag:s4], $0x0  }
0x19: {  	s7 =	sld [smem:$0x3F9E]  }
0x1a: {  	s8 =	sadd.s32 $0xFFFFE003, lr  }
0x1b: {  	s9 =	sadd.s32 $0xFFFFFEF7, lr;
	s5 =	simm.s32 $0xFFFFFFFF;
	p2 =	slt.u32 s8, $0xFFFFF086  }
0x1c: {  	p1 =	slt.u32 s9, $0xF7A;
	s5 =	simm.s32 @!p2 $0x0  }
0x1d: {  	s5 =	simm.s32 @p1 $0x1;
	p0 =	seq.s32 s7, s2  }
0x1e: {  	s7 =	smul.u32 @!p0 $0xF7A, s2;
	p2 =	seq.s32 @!p0 s5, $0x0  }
0x1f: {  	s9 =	smul.u32 $0xF7A, s1;
	s8 =	simm.s32 @!p0 $0x1BF5;
	p2 =	por !p2, p0  }
0x20: {  	[sflag:s8] =	ssyncset.s32 @!p0 $0xFFFFF086;
	s6 =	sadd.s32 @!p0 s3, s7;
	s7 =	simm.s32 @!p0 $0x108  }
0x21: {  	s3 =	sadd.s32 s3, s9;
	s6 =	sadd.s32 @!p0 $0x88, s6;
	s7 =	simm.s32 @p2 $0x1082  }
0x22: {  	[simem:s7], [sflag:s8] =	dma.local @!p0 [hbm:s6], $0xF7A  }
0x23: {  	s9 =	sor.u32 $0xD0000000, s2;
	s6 =	simm.s32 $0x108;
	_ =	swait.ge @!p0 [sflag:s8], $0x0  }
0x24: {  	s3 =	sadd.s32 $0x88, s3;
	s6 =	simm.s32 @!p1 $0x1082;
	[sflag:s4] =	ssyncset.s32 $0xFFFFF086  }
0x25: {  	[simem:s6], [sflag:s4] =	dma.local [hbm:s3], $0xF7A  }
0x26: {  	[smem:$0x3F9E] =	sst s1;
	(tag) =	ssettag s2;
	_ =	strace s9  }
0x27: {  	s1 =	sld [smem:$0x3FAE]  }
0x28: {  	s2 =	sld [smem:$0x3FAF]  }
0x29: {  	s4 =	sld [smem:$0x3FB1]  }
0x2a: {  	p0 =	seq.s32 s5, $0x0;
	s5 =	sld [smem:$0x3FB2]  }
0x2b: {  	s6 =	sld [smem:$0x3FB3]  }
0x2c: {  	s7 =	sld [smem:$0x3FB4]  }
0x2d: {  	s3 =	simm.s32 $0x108;
	s8 =	sld [smem:$0x3FB5]  }
0x2e: {  	s3 =	simm.s32 @!p0 $0x1082;
	s9 =	sld [smem:$0x3FB6]  }
0x2f: {  	lr =	sadd.s32 s0, s3;
	s0 =	sld [smem:$0x3FAD]  }
0x30: {  	s3 =	sld [smem:$0x3FB0]  }
0x31: {  	[smem:$0x3FB9] =	sst s10  }
0x32: {  	s10 =	sld [smem:$0x3FB7];
	_ =	sdelay $0x3  }
0x33: {  	p0 =	seq.s32 s10, $0x1;
	s10 =	sld [smem:$0x3FB9];
	_ =	sdelay $0x3  }
0x34: {  	[smem:$0x3FB9] =	sst s10  }
0x35: {  	s10 =	sld [smem:$0x3FB8];
	_ =	sdelay $0x3  }
0x36: {  	p1 =	seq.s32 s10, $0x1;
	s10 =	sld [smem:$0x3FB9];
	_ =	sdelay $0x3  }
0x37: {  	[smem:$0x3FB9] =	sst s10  }
0x38: {  	s10 =	sld [smem:$0x3FBA]  }
0x39: {  	_ = 	snop;
	(pc) =	sbr.ind lr, $3  }
0x3a: {  	_ = 	snop  }
0x3b: {  	_ = 	snop  }
0x3c: {  	p2 =	seq.s32 s10, $0x1;
	s10 =	sld [smem:$0x3FB9]  }
0x3d: {  	_ =	shalt  }
0x3e: {  	_ =	shalt  }
0x3f: {  	_ =	shalt  }
0x40: {  	_ =	shalt  }
0x41: {  	_ =	shalt  }
0x42: {  	_ =	shalt  }
0x43: {  	_ =	shalt  }
0x44: {  	_ =	shalt  }
0x45: {  	_ =	shalt  }
0x46: {  	_ =	shalt  }
0x47: {  	_ =	shalt  }
0x48: {  	_ =	shalt  }
0x49: {  	_ =	shalt  }
0x4a: {  	_ =	shalt  }
0x4b: {  	_ =	shalt  }
0x4c: {  	_ =	shalt  }
0x4d: {  	_ =	shalt  }
0x4e: {  	_ =	shalt  }
0x4f: {  	_ =	shalt  }
0x50: {  	_ =	shalt  }
0x51: {  	_ =	shalt  }
0x52: {  	_ =	shalt  }
0x53: {  	_ =	shalt  }
0x54: {  	_ =	shalt  }
0x55: {  	_ =	shalt  }
0x56: {  	_ =	shalt  }
0x57: {  	_ =	shalt  }
0x58: {  	_ =	shalt  }
0x59: {  	_ =	shalt  }
0x5a: {  	_ =	shalt  }
0x5b: {  	_ =	shalt  }
0x5c: {  	_ =	shalt  }
0x5d: {  	_ =	shalt  }
0x5e: {  	_ =	shalt  }
0x5f: {  	_ =	shalt  }
0x60: {  	_ =	shalt  }
0x61: {  	_ =	shalt  }
0x62: {  	_ =	shalt  }
0x63: {  	_ =	shalt  }
0x64: {  	_ =	shalt  }
0x65: {  	_ =	shalt  }
0x66: {  	_ =	shalt  }
0x67: {  	_ =	shalt  }
0x68: {  	_ =	shalt  }
0x69: {  	_ =	shalt  }
0x6a: {  	_ =	shalt  }
0x6b: {  	_ =	shalt  }
0x6c: {  	_ =	shalt  }
0x6d: {  	_ =	shalt  }
0x6e: {  	_ =	shalt  }
0x6f: {  	_ =	shalt  }
0x70: {  	_ =	shalt  }
0x71: {  	_ =	shalt  }
0x72: {  	_ =	shalt  }
0x73: {  	_ =	shalt  }
0x74: {  	_ =	shalt  }
0x75: {  	_ =	shalt  }
0x76: {  	_ =	shalt  }
0x77: {  	_ =	shalt  }
0x78: {  	_ =	shalt  }
0x79: {  	_ =	shalt  }
0x7a: {  	_ =	shalt  }
0x7b: {  	_ =	shalt  }
0x7c: {  	_ =	shalt  }
0x7d: {  	_ =	shalt  }
0x7e: {  	_ =	shalt  }
0x7f: {  	_ =	shalt  }
0x80: {  	_ =	shalt  }
0x81: {  	_ =	shalt  }
0x82: {  	_ =	shalt  }
0x83: {  	_ =	shalt  }
0x84: {  	_ =	shalt  }
0x85: {  	_ =	shalt  }
0x86: {  	_ =	shalt  }
0x87: {  	_ =	shalt  }
.Lfunc_end0:
.L_simem_size_0:
called_computation_lowered:
.L_overlay_start_0:
0x88: {  	s2 =	sld [smem:$0x3FD9]  }
0x89: {  	s3 =	sld [smem:$0x3FFE];
	_ =	sdelay $0x1  }
0x8a: {  	s1 =	srdreg.scid  }
0x8b: {  	s0 =	sand.u32 $0x1, s1  }
0x8c: {  	s17 =	sshll.u32 s0, $0xA;
	s2 =	sadd.s32 s3, s2  }
0x8d: {  	s2 =	sadd.s32 s2, s17  }
0x8e: {  	[smem:$0x3FC5] =	sst s2  }
0x8f: {  	_ = 	snop  }
0x90: {  	s2 =	sld [smem:$0x3FC7]  }
0x91: {  	s18 =	sld [smem:$0x3FD0];
	(tm) =	ssettm $0x1  }
0x92: {  	s4 =	sld [smem:$0x3FFB];
	_ =	sdelay $0x3  }
0x93: {  	_ =	strace s4  }
0x94: {  	s4 =	sld [smem:$0x3FFC];
	_ =	sdelay $0x3  }
0x95: {  	_ =	strace s4  }
0x96: {  	s4 =	sld [smem:$0x3FFD];
	_ =	sdelay $0x3  }
0x97: {  	_ =	strace s4  }
0x98: {  	_ =	strace $0x8FFFFFFF  }
0x99: {  	s19 =	sld [smem:$0x3FDB];
	_ =	sdelay $0x1  }
0x9a: {  	s5 =	simm.s32 $_scs_section_size  }
0x9b: {  	s6 =	simm.s32 $_size__tile_overlayer_lowered;
	s7 =	simm.s32 $_tile_overlayer_lowered  }
0x9c: {  	s22 =	simm.s32 $0x1BFF;
	s21 =	sshll.u32 s7, $0x1;
	s4 =	sadd.s32 s5, s19  }
0x9d: {  	s8 =	simm.s32 $0x0;
	s20 =	sshll.u32 s6, $0x1;
	s6 =	sadd.s32 s21, s4  }
0x9e: {  	[timem:s8], [sflag:s22] =	dma.local [hbm:s6], s20  }
0x9f: {  	_ =	swait.ge [sflag:s22], s20  }
0xa0: {  	s5 =	ssub.s32 $0x0, s20;
	[sflag:s22] =	ssyncset.done $0x0  }
0xa1: {  	[sflag:s22] =	ssyncadd.s32 s5;
	_ =	sdelay $0x1  }
0xa2: {  	s23 =	simm.s32 $0x1B8B  }
0xa3: {  	_ =	swait.ge [sflag:s23], $0x1  }
0xa4: {  	[sflag:s23] =	ssyncset.done $0x0  }
0xa5: {  	s25 =	simm.s32 $0x1B8E;
	s24 =	sld [smem:$0x3FFE];
	[sflag:s23] =	ssyncadd.s32 $0xFFFFFFFF  }
0xa6: {  	s26 =	simm.s32 $execute0_lowered;
	[smem:$0x3FD2] =	sst s25  }
0xa7: {  	s6 =	sshll.u32 s26, $0x1;
	_ =	strace $0x80000046;
	[dreg:$0x1] =	wrdreg $0xFFFFFFFF  }
0xa8: {  	s28 =	simm.s32 $_size_execute0_lowered;
	s4 =	sadd.s32 s4, s6;
	[dreg:$0x0] =	wrdreg $0x0  }
0xa9: {  	s6 =	sshll.u32 s28, $0x1;
	[dreg:$0x2] =	wrdreg s4  }
0xaa: {  	[dreg:$0x3] =	wrdreg s6  }
0xab: {  	[dreg:$0x4] =	wrdreg $0xC0  }
0xac: {  	_ =	task [dreg:s8], $0x5FFFF  }
0xad: {  	[dreg:$0x1] =	wrdreg $0xFFFFFFFF  }
0xae: {  	[dreg:$0x0] =	wrdreg $0x60  }
0xaf: {  	[dreg:$0x2] =	wrdreg s18  }
0xb0: {  	[dreg:$0x3] =	wrdreg s2  }
0xb1: {  	[dreg:$0x4] =	wrdreg s24  }
0xb2: {  	[dreg:$0x5] =	wrdreg $0x9  }
0xb3: {  	_ =	task.clear_ibuf [dreg:s8], $0x6FFFF;
	_ =	strace $0x90000046  }
0xb4: {  	s29 =	simm.s32 $0x9;
	_ =	strace $0x80000048  }
0xb5: {  	_ =	swait.ge [sflag:s29], $0x1  }
0xb6: {  	[sflag:s29] =	ssyncadd.s32 $0xFFFFFFFF  }
0xb7: {  	_ =	strace $0x90000048  }
0xb8: {  	_ =	sfence  }
0xb9: {  	s30 =	sld [smem:$0x0];
	_ =	sdelay $0x2  }
0xba: {  	s31 =	sshll.u32 s1, $0xD;
	s1 =	sshrl.u32 s1, $0x2  }
0xbb: {  	s3 =	sand.u32 $0x4000, s31;
	s1 =	sadd.s32 s1, s30  }
0xbc: {  	s0 =	sor.u32 s3, s0;
	s1 =	sshll.u32 s1, $0x11  }
0xbd: {  	s0 =	sor.u32 s1, s0  }
0xbe: {  	s0 =	sadd.s32 $0x8F2B, s0  }
0xbf: {  	[sflag:s0] =	ssyncadd.remote.s32 $0x1  }
0xc0: {  	_ =	sfence.sel $0xFFFF  }
0xc1: {  	[dreg:$0x0] =	wrdreg $0xFFFFFFFF;
	(pc) =	sbr.abs _section_cstart, $3  }
0xc2: {  	[dreg:$0x1] =	wrdreg $0xFFFFFFFF  }
0xc3: {  	_ =	task.clear_ibuf [dreg:s8], $0x2FFFF;
	_ =	strace $0x9FFFFFFF  }
0xc4: {  	(tm) =	ssettm $0x7FFFFFFF  }
0xc5: {  	_ =	shalt  }
tec
execute0_lowered:
.L_overlay_start_1:
0x0: {  	(tag) =	ssettag $0x1  }
0x1: {  	s4 =	rddreg [dreg:$0x0]  }
0x2: {  	s2 =	rddreg [dreg:$0x1];
	s3 =	srdreg.scid  }
0x3: {  	s13 =	rddreg [dreg:$0x2];
	s1 =	stileid.u32;
	s14 =	sand.u32 $0x1, s3  }
0x4: {  	s3 =	simm.s32 $0x0;
	s5 =	sshll.u32 s1, $0x8;
	s6 =	sshll.u32 s14, $0x7  }
0x5: {  	[smem:$0x7FF] =	sst s3;
	s15 =	sor.u32 s6, s5  }
0x6: {  	s0 =	rddreg [dreg:$0x3];
	_ =	strace $0x80000047;
	s5 =	sshrl.u32 s15, $0x1  }
0x7: {  	s6 =	simm.s32 $0x4000;
	s4 =	sadd.s32 s4, s5;
	s5 =	simm.s32 $0x200  }
0x8: {  	[tilespmem:s3], [sflag:$0x2] =	stream.strided.gather [hbm4b:s4+s5], $0x0, s6, s5, $0x38;
	[tilespmem:$0xC200] =	vst v63  }
0x9: {  	s7 =	simm.s32 $0x2  }
0xa: {  	[tilespmem:s3], [sflag:$0x2] =	stream.linear.gather [hbm4b:s4+s3], $0x180, $0x38;
	[tilespmem:$0xC200] =	vst v63  }
0xb: {  	_ =	swait.ge [sflag:s7], $0x180  }
0xc: {  	[sflag:s7] =	ssyncset.done $0x0  }
0xd: {  	s8 =	simm.s32 $0x80;
	[sflag:s7] =	ssyncadd.s32 $0xFFFFFE80  }
0xe: {  	[tilespmem:s5], [sflag:$0x1] =	stream.indirect.gather [hbm4b:s2+s8], $0x80, s3, s8, $0xb8;
	[tilespmem:$0xC200] =	vst v63  }
0xf: {  	s9 =	simm.s32 $0x4200  }
0x10: {  	[tilespmem:s9], [sflag:$0x1] =	stream.indirect.gather [hbm4b:s2+s8], $0x80, s8, s8, $0xb8;
	[tilespmem:$0xC200] =	vst v63  }
0x11: {  	s10 =	simm.s32 $0x100;
	s11 =	simm.s32 $0x8200;
	s12 =	simm.s32 $0x1  }
0x12: {  	[tilespmem:s11], [sflag:$0x1] =	stream.indirect.gather [hbm4b:s2+s8], $0x80, s10, s8, $0xb8;
	[tilespmem:$0xC200] =	vst v63  }
0x13: {  	_ =	swait.ge [sflag:s12], $0x4000  }
0x14: {  	[sflag:s12] =	ssyncset.done $0x0  }
0x15: {  	s14 =	ssub.s32 $0x2, s14;
	[sflag:s12] =	ssyncadd.s32 $0xFFFFC000  }
0x16: {  	s31 =	sshrl.u32 s14, $0x1;
	_ =	swait.ge [sflag:s12], $0x4000  }
0x17: {  	s15 =	sshll.u32 s15, $0x4;
	s14 =	ssub.s32 s14, s31;
	[sflag:s12] =	ssyncset.done $0x0  }
0x18: {  	s13 =	sadd.s32 s15, s13;
	s15 =	smax.u32 s14, $0x1;
	[sflag:s12] =	ssyncadd.s32 $0xFFFFC000  }
0x19: {  	p0 =	sne.s32 s15, $0x1;
	_ =	swait.ge [sflag:s12], $0x4000  }
.Ltmp0:
0x1a: {  	[sflag:s12] =	ssyncset.done $0x0;
	(pc) =	sbr.rel @!p0 .LBB2_2-.Ltmp0, $4  }
0x1b: {  	s14 =	simm.s32 $0x80000;
	s13 =	sadd.s32 $0xC00, s13;
	[sflag:s12] =	ssyncadd.s32 $0xFFFFC000  }
0x1c: {  	[hbm4b:s13+s6] =	stream.strided.scatter [tilespmem:s5], [sflag:$0x2], $0xC000, s14, s6, $0x38;
	[tilespmem:$0xC200] =	vst v63  }
0x1d: {  	_ =	swait.ge [sflag:s7], $0xC000  }
0x1e: {  	s15 =	sadd.s32 $0xFFFFFFFF, s15;
	[sflag:s7] =	ssyncset.done $0x0  }
.LBB2_1:
0x1f: {  	p0 =	sne.s32 s15, $0x1;
	s15 =	sadd.s32 $0xFFFFFFFF, s15;
	[sflag:s7] =	ssyncadd.s32 $0xFFFF4000  }
0x20: {  	[tilespmem:s3], [sflag:$0x2] =	stream.strided.gather [hbm4b:s4+s5], $0x0, s6, s5, $0x38;
	[tilespmem:$0xC200] =	vst v63  }
0x21: {  	_ = 	snop  }
0x22: {  	[tilespmem:s3], [sflag:$0x2] =	stream.linear.gather [hbm4b:s4+s3], $0x180, $0x38;
	[tilespmem:$0xC200] =	vst v63  }
0x23: {  	_ =	swait.ge [sflag:s7], $0x180  }
0x24: {  	[sflag:s7] =	ssyncset.done $0x0  }
0x25: {  	[sflag:s7] =	ssyncadd.s32 $0xFFFFFE80  }
0x26: {  	[tilespmem:s5], [sflag:$0x1] =	stream.indirect.gather [hbm4b:s2+s8], $0x80, s3, s8, $0xb8;
	[tilespmem:$0xC200] =	vst v63  }
0x27: {  	_ = 	snop  }
0x28: {  	[tilespmem:s9], [sflag:$0x1] =	stream.indirect.gather [hbm4b:s2+s8], $0x80, s8, s8, $0xb8;
	[tilespmem:$0xC200] =	vst v63  }
0x29: {  	_ = 	snop  }
0x2a: {  	[tilespmem:s11], [sflag:$0x1] =	stream.indirect.gather [hbm4b:s2+s8], $0x80, s10, s8, $0xb8;
	[tilespmem:$0xC200] =	vst v63  }
0x2b: {  	_ =	swait.ge [sflag:s12], $0x4000  }
0x2c: {  	[sflag:s12] =	ssyncset.done $0x0  }
0x2d: {  	[sflag:s12] =	ssyncadd.s32 $0xFFFFC000  }
0x2e: {  	_ =	swait.ge [sflag:s12], $0x4000  }
0x2f: {  	[sflag:s12] =	ssyncset.done $0x0  }
0x30: {  	[sflag:s12] =	ssyncadd.s32 $0xFFFFC000  }
0x31: {  	_ =	swait.ge [sflag:s12], $0x4000  }
.Ltmp1:
0x32: {  	[sflag:s12] =	ssyncset.done $0x0;
	(pc) =	sbr.rel @p0 .LBB2_1-.Ltmp1, $4  }
0x33: {  	[sflag:s12] =	ssyncadd.s32 $0xFFFFC000  }
0x34: {  	[hbm4b:s13+s6] =	stream.strided.scatter [tilespmem:s5], [sflag:$0x2], $0xC000, s14, s6, $0x38;
	[tilespmem:$0xC200] =	vst v63  }
0x35: {  	_ =	swait.ge [sflag:s7], $0xC000  }
0x36: {  	[sflag:s7] =	ssyncset.done $0x0  }
.LBB2_2:
0x37: {  	[sflag:s7] =	ssyncadd.s32 $0xFFFF4000  }
0x38: {  	_ =	sfence.sel $0x180000  }
0x39: {  	[bflag:$0x0] =	sbarrier.arrive $0xFFFF  }
0x3a: {  	p0 =	sne.s32 s1, $0x0;
	_ =	strace $0x90000047  }
0x3b: {  	s0 =	sadd.s32 @!p0 $0x100000, s0;
	[bflag:$0x2] =	sbarrier.arrive $0xFFFF  }
0x3c: {  	[sflag:s0] =	ssyncadd.tile.s32 @!p0 $0x1;
	_ =	shalt  }
.Lfunc_end2:
_tile_overlayer_lowered:
.L_overlay_start_2:
0x3d: {  	(tag) =	ssettag $0x2  }
0x3e: {  	s0 =	rddreg [dreg:$0x0];
	s2 =	stileid.u32  }
0x3f: {  	s1 =	rddreg [dreg:$0x1];
	p0 =	sne.s32 s2, $0x0  }
0x40: {  	s3 =	rddreg [dreg:$0x2];
	[bflag:$0x3] =	sbarrier.arrive $0xFFFF;
	s2 =	simm.s32 @!p0 $0x1C02  }
0x41: {  	[timem:s3], [sflag:s2] =	dma.local @!p0 [hbm:s0], s1  }
0x42: {  	s0 =	simm.s32 @!p0 $0x2  }
0x43: {  	_ =	swait.ge @!p0 [sflag:s0], s1  }
0x44: {  	s1 =	ssub.s32 @!p0 $0x0, s1;
	[sflag:s0] =	ssyncset.done @!p0 $0x0  }
0x45: {  	[sflag:s0] =	ssyncadd.s32 @!p0 s1  }
0x46: {  	[bflag:$0x3] =	sbarrier.arrive $0xFFFF  }
0x47: {  	_ =	shalt  }

</sc_bundles>
